<compile_context>
chip_gen: v7x
topology: tpu7x:2x2x1
jax: 0.10.2.dev20260603
libtpu: 0.0.44.dev20260713+nightly
codegen_flags: <defaults>
</compile_context>

<pallas_src>
import functools

import jax
import jax.numpy as jnp
from jax import lax
from jax.experimental import pallas as pl
from jax.experimental.pallas import tpu as pltpu
from jax.experimental.pallas import tpu_sc as plsc

N_VOCAB = 100000
D_MODEL = 128
N_SEQ = 16384
SEQ_LEN = 50
B_ROWS = N_SEQ * SEQ_LEN
NUM_WORKERS = 32
ROWS_PER_WORKER = B_ROWS // NUM_WORKERS
G = 128
NCH = ROWS_PER_WORKER // G
NBUF = 5
LOOKAHEAD = NBUF - 1


def _gather_kernel(idx_hbm, table_hbm, out_hbm,
                   idx_v, b0, b1, b2, b3, b4,
                   g0, g1, g2, g3, g4, s0, s1, s2, s3, s4):
    wid = lax.axis_index("s") * 2 + lax.axis_index("c")
    base = wid * NCH
    pltpu.sync_copy(idx_hbm.at[pl.ds(base, NCH)], idx_v)

    bufs = (b0, b1, b2, b3, b4)
    gsems = (g0, g1, g2, g3, g4)
    ssems = (s0, s1, s2, s3, s4)

    def gather_desc(chunk, slot):
        return pltpu.make_async_copy(table_hbm.at[idx_v.at[chunk]],
                                     bufs[slot], gsems[slot])

    def store_desc(chunk, slot):
        return pltpu.make_async_copy(bufs[slot],
                                     out_hbm.at[pl.ds((base + chunk) * G, G)],
                                     ssems[slot])

    for c in range(LOOKAHEAD):
        gather_desc(c, c).start()

    def body(o, carry):
        for b in range(NBUF):
            t = NBUF * o + b
            gather_desc(t, b).wait()
            store_desc(t, b).start()
            f = t + LOOKAHEAD
            fslot = (b + LOOKAHEAD) % NBUF

            @pl.when(jnp.logical_and(f < NCH, t >= 1))
            def _():
                store_desc(t - 1, fslot).wait()

            @pl.when(f < NCH)
            def _():
                gather_desc(f, fslot).start()
        return carry

    lax.fori_loop(0, NCH // NBUF, body, 0)

    for c in range(NCH - NBUF, NCH):
        store_desc(c, c % NBUF).wait()


def kernel(inputs, embedding_weight):
    idx = inputs.astype(jnp.int32).T.reshape(B_ROWS // G, G)
    mesh = plsc.VectorSubcoreMesh(core_axis_name="c", subcore_axis_name="s")
    run = functools.partial(
        pl.kernel,
        mesh=mesh,
        out_type=jax.ShapeDtypeStruct((B_ROWS, D_MODEL), jnp.float32),
        scratch_types=(
            [pltpu.VMEM((NCH, G), jnp.int32)]
            + [pltpu.VMEM((G, D_MODEL), jnp.float32)] * NBUF
            + [pltpu.SemaphoreType.DMA] * (2 * NBUF)
        ),
    )(_gather_kernel)
    out = run(idx, embedding_weight)
    return out.reshape(SEQ_LEN, N_SEQ, D_MODEL).transpose(1, 0, 2)

# --- scband reference (transcript-rebuilt; emitter-appended) ---
"""Pipeline reference for scband-embedding-layer-41893111005238 (READ-ONLY COPY).

The authoritative reference and input builder live on the scoring server;
editing this copy changes nothing except your own understanding.
"""

import jax, jax.numpy as jnp
import numpy as np

N_VOCAB = 100000
D_MODEL = 128

def setup_inputs(seed: int = 0) -> dict:
    key = jax.random.key(seed)
    k_idx, k_emb = jax.random.split(key, 2)
    inputs = jax.random.randint(k_idx, (16384, 50), 0, N_VOCAB, dtype=jnp.int64)
    # nn.Embedding default init: N(0, 1)
    embedding_weight = jax.random.normal(k_emb, (N_VOCAB, D_MODEL), dtype=jnp.float32)
    return {"inputs": inputs, "embedding_weight": embedding_weight}

def reference(inputs, embedding_weight):
    # EmbeddingLayer.forward_encode: self.embedding(inputs)
    out = jnp.take(embedding_weight, inputs, axis=0)
    return out

if __name__ == "__main__":
    import jax
    _d = setup_inputs()
    print(jax.jit(kernel)(*tuple(_d.values())))

</pallas_src>

<mosaic_0001>
#map = affine_map<(d0, d1) -> (0, 0)>
module attributes {stable_mosaic.version = 14 : i64} {
  func.func @_gather_kernel(%arg0: i32, %arg1: i32, %arg2: memref<6400x128xi32, #tpu.memory_space<hbm>>, %arg3: memref<100000x128xf32, #tpu.memory_space<hbm>>, %arg4: memref<819200x128xf32, #tpu.memory_space<hbm>>, %arg5: memref<200x128xi32, #tpu.memory_space<vmem>>, %arg6: memref<128x128xf32, #tpu.memory_space<vmem>>, %arg7: memref<128x128xf32, #tpu.memory_space<vmem>>, %arg8: memref<128x128xf32, #tpu.memory_space<vmem>>, %arg9: memref<128x128xf32, #tpu.memory_space<vmem>>, %arg10: memref<128x128xf32, #tpu.memory_space<vmem>>, %arg11: memref<!tpu.dma_semaphore, #tpu.memory_space<semaphore_mem>>, %arg12: memref<!tpu.dma_semaphore, #tpu.memory_space<semaphore_mem>>, %arg13: memref<!tpu.dma_semaphore, #tpu.memory_space<semaphore_mem>>, %arg14: memref<!tpu.dma_semaphore, #tpu.memory_space<semaphore_mem>>, %arg15: memref<!tpu.dma_semaphore, #tpu.memory_space<semaphore_mem>>, %arg16: memref<!tpu.dma_semaphore, #tpu.memory_space<semaphore_mem>>, %arg17: memref<!tpu.dma_semaphore, #tpu.memory_space<semaphore_mem>>, %arg18: memref<!tpu.dma_semaphore, #tpu.memory_space<semaphore_mem>>, %arg19: memref<!tpu.dma_semaphore, #tpu.memory_space<semaphore_mem>>, %arg20: memref<!tpu.dma_semaphore, #tpu.memory_space<semaphore_mem>>) attributes {dimension_semantics = [#tpu.dimension_semantics<core_parallel>, #tpu.dimension_semantics<subcore_parallel>], iteration_bounds = array<i64: 2, 16>, scalar_prefetch = 0 : i64, scratch_operands = 16 : i64, tpu.core_type = #tpu.core_type<sc_vector_subcore>, window_params = [{transform_indices = #map}, {transform_indices = #map}, {transform_indices = #map}]} {
    %mul3A = arith.constant 2 : i32
    %mul3A_0 = arith.muli %arg1, %mul3A : i32
    %add3A = arith.addi %mul3A_0, %arg0 : i32
    %mul3A_1 = arith.constant 200 : i32
    %mul3A_2 = arith.muli %add3A, %mul3A_1 : i32
    "tpu.region"() ({
      %run_scoped3A = tpu.sem_alloc : memref<!tpu.dma_semaphore, #tpu.memory_space<semaphore_mem>>
      %dma_start3A_74 = arith.constant 0 : i32
      %dma_start3A_75 = tpu.memref_slice %arg2[%mul3A_2, %dma_start3A_74] : memref<6400x128xi32, #tpu.memory_space<hbm>> -> memref<200x128xi32, #tpu.memory_space<hbm>>
      %dma_start3A_76 = arith.constant 0 : i32
      %dma_start3A_77 = tpu.memref_slice %arg2[%mul3A_2, %dma_start3A_76] : memref<6400x128xi32, #tpu.memory_space<hbm>> -> memref<200x128xi32, #tpu.memory_space<hbm>>
      tpu.enqueue_dma source(%dma_start3A_77 : memref<200x128xi32, #tpu.memory_space<hbm>>) target(%arg5 : memref<200x128xi32, #tpu.memory_space<vmem>>) target_semaphore(%run_scoped3A : memref<!tpu.dma_semaphore, #tpu.memory_space<semaphore_mem>>)
      %dma_wait3A_78 = arith.constant 0 : i32
      %dma_wait3A_79 = tpu.memref_slice %arg2[%mul3A_2, %dma_wait3A_78] : memref<6400x128xi32, #tpu.memory_space<hbm>> -> memref<200x128xi32, #tpu.memory_space<hbm>>
      %dma_wait3A_80 = arith.constant 0 : i32
      %dma_wait3A_81 = tpu.memref_slice %arg2[%mul3A_2, %dma_wait3A_80] : memref<6400x128xi32, #tpu.memory_space<hbm>> -> memref<200x128xi32, #tpu.memory_space<hbm>>
      tpu.wait_dma2 semaphore(%run_scoped3A : memref<!tpu.dma_semaphore, #tpu.memory_space<semaphore_mem>>) src(%dma_wait3A_81 : memref<200x128xi32, #tpu.memory_space<hbm>>) dst(%arg5 : memref<200x128xi32, #tpu.memory_space<vmem>>)
      tpu.yield
    }) : () -> ()
    %dma_start3A = arith.constant 0 : i32
    %dma_start3A_3 = arith.constant 0 : i32
    %dma_start3A_4 = tpu.memref_slice %arg5[%dma_start3A, %dma_start3A_3] : memref<200x128xi32, #tpu.memory_space<vmem>> -> memref<1x128xi32, #tpu.memory_space<vmem>>
    %dma_start3A_5 = tpu.memref_squeeze %dma_start3A_4 : memref<1x128xi32, #tpu.memory_space<vmem>> -> memref<128xi32, #tpu.memory_space<vmem>>
    %dma_start3A_6 = arith.constant 0 : i32
    %dma_start3A_7 = arith.constant 0 : i32
    %dma_start3A_8 = tpu.memref_slice %arg3[%dma_start3A_6, %dma_start3A_7] : memref<100000x128xf32, #tpu.memory_space<hbm>> -> memref<100000x128xf32, #tpu.memory_space<hbm>>
    tpu.enqueue_indirect_dma source(%dma_start3A_8 : memref<100000x128xf32, #tpu.memory_space<hbm>>) target(%arg6 : memref<128x128xf32, #tpu.memory_space<vmem>>) offsets(%dma_start3A_5 : memref<128xi32, #tpu.memory_space<vmem>>) semaphore(%arg11 : memref<!tpu.dma_semaphore, #tpu.memory_space<semaphore_mem>>)
    %dma_start3A_9 = arith.constant 1 : i32
    %dma_start3A_10 = arith.constant 0 : i32
    %dma_start3A_11 = tpu.memref_slice %arg5[%dma_start3A_9, %dma_start3A_10] : memref<200x128xi32, #tpu.memory_space<vmem>> -> memref<1x128xi32, #tpu.memory_space<vmem>>
    %dma_start3A_12 = tpu.memref_squeeze %dma_start3A_11 : memref<1x128xi32, #tpu.memory_space<vmem>> -> memref<128xi32, #tpu.memory_space<vmem>>
    %dma_start3A_13 = arith.constant 0 : i32
    %dma_start3A_14 = arith.constant 0 : i32
    %dma_start3A_15 = tpu.memref_slice %arg3[%dma_start3A_13, %dma_start3A_14] : memref<100000x128xf32, #tpu.memory_space<hbm>> -> memref<100000x128xf32, #tpu.memory_space<hbm>>
    tpu.enqueue_indirect_dma source(%dma_start3A_15 : memref<100000x128xf32, #tpu.memory_space<hbm>>) target(%arg7 : memref<128x128xf32, #tpu.memory_space<vmem>>) offsets(%dma_start3A_12 : memref<128xi32, #tpu.memory_space<vmem>>) semaphore(%arg12 : memref<!tpu.dma_semaphore, #tpu.memory_space<semaphore_mem>>)
    %dma_start3A_16 = arith.constant 2 : i32
    %dma_start3A_17 = arith.constant 0 : i32
    %dma_start3A_18 = tpu.memref_slice %arg5[%dma_start3A_16, %dma_start3A_17] : memref<200x128xi32, #tpu.memory_space<vmem>> -> memref<1x128xi32, #tpu.memory_space<vmem>>
    %dma_start3A_19 = tpu.memref_squeeze %dma_start3A_18 : memref<1x128xi32, #tpu.memory_space<vmem>> -> memref<128xi32, #tpu.memory_space<vmem>>
    %dma_start3A_20 = arith.constant 0 : i32
    %dma_start3A_21 = arith.constant 0 : i32
    %dma_start3A_22 = tpu.memref_slice %arg3[%dma_start3A_20, %dma_start3A_21] : memref<100000x128xf32, #tpu.memory_space<hbm>> -> memref<100000x128xf32, #tpu.memory_space<hbm>>
    tpu.enqueue_indirect_dma source(%dma_start3A_22 : memref<100000x128xf32, #tpu.memory_space<hbm>>) target(%arg8 : memref<128x128xf32, #tpu.memory_space<vmem>>) offsets(%dma_start3A_19 : memref<128xi32, #tpu.memory_space<vmem>>) semaphore(%arg13 : memref<!tpu.dma_semaphore, #tpu.memory_space<semaphore_mem>>)
    %dma_start3A_23 = arith.constant 3 : i32
    %dma_start3A_24 = arith.constant 0 : i32
    %dma_start3A_25 = tpu.memref_slice %arg5[%dma_start3A_23, %dma_start3A_24] : memref<200x128xi32, #tpu.memory_space<vmem>> -> memref<1x128xi32, #tpu.memory_space<vmem>>
    %dma_start3A_26 = tpu.memref_squeeze %dma_start3A_25 : memref<1x128xi32, #tpu.memory_space<vmem>> -> memref<128xi32, #tpu.memory_space<vmem>>
    %dma_start3A_27 = arith.constant 0 : i32
    %dma_start3A_28 = arith.constant 0 : i32
    %dma_start3A_29 = tpu.memref_slice %arg3[%dma_start3A_27, %dma_start3A_28] : memref<100000x128xf32, #tpu.memory_space<hbm>> -> memref<100000x128xf32, #tpu.memory_space<hbm>>
    tpu.enqueue_indirect_dma source(%dma_start3A_29 : memref<100000x128xf32, #tpu.memory_space<hbm>>) target(%arg9 : memref<128x128xf32, #tpu.memory_space<vmem>>) offsets(%dma_start3A_26 : memref<128xi32, #tpu.memory_space<vmem>>) semaphore(%arg14 : memref<!tpu.dma_semaphore, #tpu.memory_space<semaphore_mem>>)
    %scan3A = arith.constant 0 : i32
    %scan3A_30 = arith.constant 0 : i32
    %scan3A_31 = arith.constant 40 : i32
    %scan3A_32 = arith.addi %scan3A_30, %scan3A_31 : i32
    %scan3A_33 = arith.constant 1 : i32
    scf.for %scan3A_74 = %scan3A_30 to %scan3A_32 step %scan3A_33  : i32 {
      %mul3A_75 = arith.constant 5 : i32
      %mul3A_76 = arith.muli %mul3A_75, %scan3A_74 : i32
      %add3A_77 = arith.constant 0 : i32
      %add3A_78 = arith.addi %mul3A_76, %add3A_77 : i32
      %dma_wait3A_79 = arith.constant 0 : i32
      %dma_wait3A_80 = tpu.memref_slice %arg5[%add3A_78, %dma_wait3A_79] : memref<200x128xi32, #tpu.memory_space<vmem>> -> memref<1x128xi32, #tpu.memory_space<vmem>>
      %dma_wait3A_81 = tpu.memref_squeeze %dma_wait3A_80 : memref<1x128xi32, #tpu.memory_space<vmem>> -> memref<128xi32, #tpu.memory_space<vmem>>
      %dma_wait3A_82 = arith.constant 0 : i32
      %dma_wait3A_83 = arith.constant 0 : i32
      %dma_wait3A_84 = tpu.memref_slice %arg3[%dma_wait3A_82, %dma_wait3A_83] : memref<100000x128xf32, #tpu.memory_space<hbm>> -> memref<100000x128xf32, #tpu.memory_space<hbm>>
      tpu.wait_indirect_dma semaphore(%arg11 : memref<!tpu.dma_semaphore, #tpu.memory_space<semaphore_mem>>) src(%dma_wait3A_84 : memref<100000x128xf32, #tpu.memory_space<hbm>>) dst(%arg6 : memref<128x128xf32, #tpu.memory_space<vmem>>)
      %add3A_85 = arith.addi %mul3A_2, %add3A_78 : i32
      %mul3A_86 = arith.constant 128 : i32
      %mul3A_87 = arith.muli %add3A_85, %mul3A_86 : i32
      %dma_start3A_88 = arith.constant 0 : i32
      %dma_start3A_89 = tpu.memref_slice %arg4[%mul3A_87, %dma_start3A_88] : memref<819200x128xf32, #tpu.memory_space<hbm>> -> memref<128x128xf32, #tpu.memory_space<hbm>>
      %dma_start3A_90 = arith.constant 0 : i32
      %dma_start3A_91 = tpu.memref_slice %arg4[%mul3A_87, %dma_start3A_90] : memref<819200x128xf32, #tpu.memory_space<hbm>> -> memref<128x128xf32, #tpu.memory_space<hbm>>
      tpu.enqueue_dma source(%arg6 : memref<128x128xf32, #tpu.memory_space<vmem>>) target(%dma_start3A_91 : memref<128x128xf32, #tpu.memory_space<hbm>>) target_semaphore(%arg16 : memref<!tpu.dma_semaphore, #tpu.memory_space<semaphore_mem>>)
      %add3A_92 = arith.constant 4 : i32
      %add3A_93 = arith.addi %add3A_78, %add3A_92 : i32
      %lt3A = arith.constant 200 : i32
      %lt3A_94 = arith.cmpi slt, %add3A_93, %lt3A : i32
      %ge3A = arith.constant 1 : i32
      %ge3A_95 = arith.cmpi sge, %add3A_78, %ge3A : i32
      %and3A = arith.andi %lt3A_94, %ge3A_95 : i1
      %convert_element_type3A = arith.extui %and3A : i1 to i32
      %cond3A = arith.constant 0 : i32
      %cond3A_96 = arith.cmpi ne, %convert_element_type3A, %cond3A : i32
      scf.if %cond3A_96 {
        %sub3A = arith.constant 1 : i32
        %sub3A_230 = arith.subi %add3A_78, %sub3A : i32
        %add3A_231 = arith.addi %mul3A_2, %sub3A_230 : i32
        %mul3A_232 = arith.constant 128 : i32
        %mul3A_233 = arith.muli %add3A_231, %mul3A_232 : i32
        %dma_wait3A_234 = arith.constant 0 : i32
        %dma_wait3A_235 = tpu.memref_slice %arg4[%mul3A_233, %dma_wait3A_234] : memref<819200x128xf32, #tpu.memory_space<hbm>> -> memref<128x128xf32, #tpu.memory_space<hbm>>
        %dma_wait3A_236 = arith.constant 0 : i32
        %dma_wait3A_237 = tpu.memref_slice %arg4[%mul3A_233, %dma_wait3A_236] : memref<819200x128xf32, #tpu.memory_space<hbm>> -> memref<128x128xf32, #tpu.memory_space<hbm>>
        tpu.wait_dma2 semaphore(%arg20 : memref<!tpu.dma_semaphore, #tpu.memory_space<semaphore_mem>>) src(%arg10 : memref<128x128xf32, #tpu.memory_space<vmem>>) dst(%dma_wait3A_237 : memref<128x128xf32, #tpu.memory_space<hbm>>)
      } else {
      }
      %lt3A_97 = arith.constant 200 : i32
      %lt3A_98 = arith.cmpi slt, %add3A_93, %lt3A_97 : i32
      %convert_element_type3A_99 = arith.extui %lt3A_98 : i1 to i32
      %cond3A_100 = arith.constant 0 : i32
      %cond3A_101 = arith.cmpi ne, %convert_element_type3A_99, %cond3A_100 : i32
      scf.if %cond3A_101 {
        %dma_start3A_230 = arith.constant 0 : i32
        %dma_start3A_231 = tpu.memref_slice %arg5[%add3A_93, %dma_start3A_230] : memref<200x128xi32, #tpu.memory_space<vmem>> -> memref<1x128xi32, #tpu.memory_space<vmem>>
        %dma_start3A_232 = tpu.memref_squeeze %dma_start3A_231 : memref<1x128xi32, #tpu.memory_space<vmem>> -> memref<128xi32, #tpu.memory_space<vmem>>
        %dma_start3A_233 = arith.constant 0 : i32
        %dma_start3A_234 = arith.constant 0 : i32
        %dma_start3A_235 = tpu.memref_slice %arg3[%dma_start3A_233, %dma_start3A_234] : memref<100000x128xf32, #tpu.memory_space<hbm>> -> memref<100000x128xf32, #tpu.memory_space<hbm>>
        tpu.enqueue_indirect_dma source(%dma_start3A_235 : memref<100000x128xf32, #tpu.memory_space<hbm>>) target(%arg10 : memref<128x128xf32, #tpu.memory_space<vmem>>) offsets(%dma_start3A_232 : memref<128xi32, #tpu.memory_space<vmem>>) semaphore(%arg15 : memref<!tpu.dma_semaphore, #tpu.memory_space<semaphore_mem>>)
      } else {
      }
      %mul3A_102 = arith.constant 5 : i32
      %mul3A_103 = arith.muli %mul3A_102, %scan3A_74 : i32
      %add3A_104 = arith.constant 1 : i32
      %add3A_105 = arith.addi %mul3A_103, %add3A_104 : i32
      %dma_wait3A_106 = arith.constant 0 : i32
      %dma_wait3A_107 = tpu.memref_slice %arg5[%add3A_105, %dma_wait3A_106] : memref<200x128xi32, #tpu.memory_space<vmem>> -> memref<1x128xi32, #tpu.memory_space<vmem>>
      %dma_wait3A_108 = tpu.memref_squeeze %dma_wait3A_107 : memref<1x128xi32, #tpu.memory_space<vmem>> -> memref<128xi32, #tpu.memory_space<vmem>>
      %dma_wait3A_109 = arith.constant 0 : i32
      %dma_wait3A_110 = arith.constant 0 : i32
      %dma_wait3A_111 = tpu.memref_slice %arg3[%dma_wait3A_109, %dma_wait3A_110] : memref<100000x128xf32, #tpu.memory_space<hbm>> -> memref<100000x128xf32, #tpu.memory_space<hbm>>
      tpu.wait_indirect_dma semaphore(%arg12 : memref<!tpu.dma_semaphore, #tpu.memory_space<semaphore_mem>>) src(%dma_wait3A_111 : memref<100000x128xf32, #tpu.memory_space<hbm>>) dst(%arg7 : memref<128x128xf32, #tpu.memory_space<vmem>>)
      %add3A_112 = arith.addi %mul3A_2, %add3A_105 : i32
      %mul3A_113 = arith.constant 128 : i32
      %mul3A_114 = arith.muli %add3A_112, %mul3A_113 : i32
      %dma_start3A_115 = arith.constant 0 : i32
      %dma_start3A_116 = tpu.memref_slice %arg4[%mul3A_114, %dma_start3A_115] : memref<819200x128xf32, #tpu.memory_space<hbm>> -> memref<128x128xf32, #tpu.memory_space<hbm>>
      %dma_start3A_117 = arith.constant 0 : i32
      %dma_start3A_118 = tpu.memref_slice %arg4[%mul3A_114, %dma_start3A_117] : memref<819200x128xf32, #tpu.memory_space<hbm>> -> memref<128x128xf32, #tpu.memory_space<hbm>>
      tpu.enqueue_dma source(%arg7 : memref<128x128xf32, #tpu.memory_space<vmem>>) target(%dma_start3A_118 : memref<128x128xf32, #tpu.memory_space<hbm>>) target_semaphore(%arg17 : memref<!tpu.dma_semaphore, #tpu.memory_space<semaphore_mem>>)
      %add3A_119 = arith.constant 4 : i32
      %add3A_120 = arith.addi %add3A_105, %add3A_119 : i32
      %lt3A_121 = arith.constant 200 : i32
      %lt3A_122 = arith.cmpi slt, %add3A_120, %lt3A_121 : i32
      %ge3A_123 = arith.constant 1 : i32
      %ge3A_124 = arith.cmpi sge, %add3A_105, %ge3A_123 : i32
      %and3A_125 = arith.andi %lt3A_122, %ge3A_124 : i1
      %convert_element_type3A_126 = arith.extui %and3A_125 : i1 to i32
      %cond3A_127 = arith.constant 0 : i32
      %cond3A_128 = arith.cmpi ne, %convert_element_type3A_126, %cond3A_127 : i32
      scf.if %cond3A_128 {
        %sub3A = arith.constant 1 : i32
        %sub3A_230 = arith.subi %add3A_105, %sub3A : i32
        %add3A_231 = arith.addi %mul3A_2, %sub3A_230 : i32
        %mul3A_232 = arith.constant 128 : i32
        %mul3A_233 = arith.muli %add3A_231, %mul3A_232 : i32
        %dma_wait3A_234 = arith.constant 0 : i32
        %dma_wait3A_235 = tpu.memref_slice %arg4[%mul3A_233, %dma_wait3A_234] : memref<819200x128xf32, #tpu.memory_space<hbm>> -> memref<128x128xf32, #tpu.memory_space<hbm>>
        %dma_wait3A_236 = arith.constant 0 : i32
        %dma_wait3A_237 = tpu.memref_slice %arg4[%mul3A_233, %dma_wait3A_236] : memref<819200x128xf32, #tpu.memory_space<hbm>> -> memref<128x128xf32, #tpu.memory_space<hbm>>
        tpu.wait_dma2 semaphore(%arg16 : memref<!tpu.dma_semaphore, #tpu.memory_space<semaphore_mem>>) src(%arg6 : memref<128x128xf32, #tpu.memory_space<vmem>>) dst(%dma_wait3A_237 : memref<128x128xf32, #tpu.memory_space<hbm>>)
      } else {
      }
      %lt3A_129 = arith.constant 200 : i32
      %lt3A_130 = arith.cmpi slt, %add3A_120, %lt3A_129 : i32
      %convert_element_type3A_131 = arith.extui %lt3A_130 : i1 to i32
      %cond3A_132 = arith.constant 0 : i32
      %cond3A_133 = arith.cmpi ne, %convert_element_type3A_131, %cond3A_132 : i32
      scf.if %cond3A_133 {
        %dma_start3A_230 = arith.constant 0 : i32
        %dma_start3A_231 = tpu.memref_slice %arg5[%add3A_120, %dma_start3A_230] : memref<200x128xi32, #tpu.memory_space<vmem>> -> memref<1x128xi32, #tpu.memory_space<vmem>>
        %dma_start3A_232 = tpu.memref_squeeze %dma_start3A_231 : memref<1x128xi32, #tpu.memory_space<vmem>> -> memref<128xi32, #tpu.memory_space<vmem>>
        %dma_start3A_233 = arith.constant 0 : i32
        %dma_start3A_234 = arith.constant 0 : i32
        %dma_start3A_235 = tpu.memref_slice %arg3[%dma_start3A_233, %dma_start3A_234] : memref<100000x128xf32, #tpu.memory_space<hbm>> -> memref<100000x128xf32, #tpu.memory_space<hbm>>
        tpu.enqueue_indirect_dma source(%dma_start3A_235 : memref<100000x128xf32, #tpu.memory_space<hbm>>) target(%arg6 : memref<128x128xf32, #tpu.memory_space<vmem>>) offsets(%dma_start3A_232 : memref<128xi32, #tpu.memory_space<vmem>>) semaphore(%arg11 : memref<!tpu.dma_semaphore, #tpu.memory_space<semaphore_mem>>)
      } else {
      }
      %mul3A_134 = arith.constant 5 : i32
      %mul3A_135 = arith.muli %mul3A_134, %scan3A_74 : i32
      %add3A_136 = arith.constant 2 : i32
      %add3A_137 = arith.addi %mul3A_135, %add3A_136 : i32
      %dma_wait3A_138 = arith.constant 0 : i32
      %dma_wait3A_139 = tpu.memref_slice %arg5[%add3A_137, %dma_wait3A_138] : memref<200x128xi32, #tpu.memory_space<vmem>> -> memref<1x128xi32, #tpu.memory_space<vmem>>
      %dma_wait3A_140 = tpu.memref_squeeze %dma_wait3A_139 : memref<1x128xi32, #tpu.memory_space<vmem>> -> memref<128xi32, #tpu.memory_space<vmem>>
      %dma_wait3A_141 = arith.constant 0 : i32
      %dma_wait3A_142 = arith.constant 0 : i32
      %dma_wait3A_143 = tpu.memref_slice %arg3[%dma_wait3A_141, %dma_wait3A_142] : memref<100000x128xf32, #tpu.memory_space<hbm>> -> memref<100000x128xf32, #tpu.memory_space<hbm>>
      tpu.wait_indirect_dma semaphore(%arg13 : memref<!tpu.dma_semaphore, #tpu.memory_space<semaphore_mem>>) src(%dma_wait3A_143 : memref<100000x128xf32, #tpu.memory_space<hbm>>) dst(%arg8 : memref<128x128xf32, #tpu.memory_space<vmem>>)
      %add3A_144 = arith.addi %mul3A_2, %add3A_137 : i32
      %mul3A_145 = arith.constant 128 : i32
      %mul3A_146 = arith.muli %add3A_144, %mul3A_145 : i32
      %dma_start3A_147 = arith.constant 0 : i32
      %dma_start3A_148 = tpu.memref_slice %arg4[%mul3A_146, %dma_start3A_147] : memref<819200x128xf32, #tpu.memory_space<hbm>> -> memref<128x128xf32, #tpu.memory_space<hbm>>
      %dma_start3A_149 = arith.constant 0 : i32
      %dma_start3A_150 = tpu.memref_slice %arg4[%mul3A_146, %dma_start3A_149] : memref<819200x128xf32, #tpu.memory_space<hbm>> -> memref<128x128xf32, #tpu.memory_space<hbm>>
      tpu.enqueue_dma source(%arg8 : memref<128x128xf32, #tpu.memory_space<vmem>>) target(%dma_start3A_150 : memref<128x128xf32, #tpu.memory_space<hbm>>) target_semaphore(%arg18 : memref<!tpu.dma_semaphore, #tpu.memory_space<semaphore_mem>>)
      %add3A_151 = arith.constant 4 : i32
      %add3A_152 = arith.addi %add3A_137, %add3A_151 : i32
      %lt3A_153 = arith.constant 200 : i32
      %lt3A_154 = arith.cmpi slt, %add3A_152, %lt3A_153 : i32
      %ge3A_155 = arith.constant 1 : i32
      %ge3A_156 = arith.cmpi sge, %add3A_137, %ge3A_155 : i32
      %and3A_157 = arith.andi %lt3A_154, %ge3A_156 : i1
      %convert_element_type3A_158 = arith.extui %and3A_157 : i1 to i32
      %cond3A_159 = arith.constant 0 : i32
      %cond3A_160 = arith.cmpi ne, %convert_element_type3A_158, %cond3A_159 : i32
      scf.if %cond3A_160 {
        %sub3A = arith.constant 1 : i32
        %sub3A_230 = arith.subi %add3A_137, %sub3A : i32
        %add3A_231 = arith.addi %mul3A_2, %sub3A_230 : i32
        %mul3A_232 = arith.constant 128 : i32
        %mul3A_233 = arith.muli %add3A_231, %mul3A_232 : i32
        %dma_wait3A_234 = arith.constant 0 : i32
        %dma_wait3A_235 = tpu.memref_slice %arg4[%mul3A_233, %dma_wait3A_234] : memref<819200x128xf32, #tpu.memory_space<hbm>> -> memref<128x128xf32, #tpu.memory_space<hbm>>
        %dma_wait3A_236 = arith.constant 0 : i32
        %dma_wait3A_237 = tpu.memref_slice %arg4[%mul3A_233, %dma_wait3A_236] : memref<819200x128xf32, #tpu.memory_space<hbm>> -> memref<128x128xf32, #tpu.memory_space<hbm>>
        tpu.wait_dma2 semaphore(%arg17 : memref<!tpu.dma_semaphore, #tpu.memory_space<semaphore_mem>>) src(%arg7 : memref<128x128xf32, #tpu.memory_space<vmem>>) dst(%dma_wait3A_237 : memref<128x128xf32, #tpu.memory_space<hbm>>)
      } else {
      }
      %lt3A_161 = arith.constant 200 : i32
      %lt3A_162 = arith.cmpi slt, %add3A_152, %lt3A_161 : i32
      %convert_element_type3A_163 = arith.extui %lt3A_162 : i1 to i32
      %cond3A_164 = arith.constant 0 : i32
      %cond3A_165 = arith.cmpi ne, %convert_element_type3A_163, %cond3A_164 : i32
      scf.if %cond3A_165 {
        %dma_start3A_230 = arith.constant 0 : i32
        %dma_start3A_231 = tpu.memref_slice %arg5[%add3A_152, %dma_start3A_230] : memref<200x128xi32, #tpu.memory_space<vmem>> -> memref<1x128xi32, #tpu.memory_space<vmem>>
        %dma_start3A_232 = tpu.memref_squeeze %dma_start3A_231 : memref<1x128xi32, #tpu.memory_space<vmem>> -> memref<128xi32, #tpu.memory_space<vmem>>
        %dma_start3A_233 = arith.constant 0 : i32
        %dma_start3A_234 = arith.constant 0 : i32
        %dma_start3A_235 = tpu.memref_slice %arg3[%dma_start3A_233, %dma_start3A_234] : memref<100000x128xf32, #tpu.memory_space<hbm>> -> memref<100000x128xf32, #tpu.memory_space<hbm>>
        tpu.enqueue_indirect_dma source(%dma_start3A_235 : memref<100000x128xf32, #tpu.memory_space<hbm>>) target(%arg7 : memref<128x128xf32, #tpu.memory_space<vmem>>) offsets(%dma_start3A_232 : memref<128xi32, #tpu.memory_space<vmem>>) semaphore(%arg12 : memref<!tpu.dma_semaphore, #tpu.memory_space<semaphore_mem>>)
      } else {
      }
      %mul3A_166 = arith.constant 5 : i32
      %mul3A_167 = arith.muli %mul3A_166, %scan3A_74 : i32
      %add3A_168 = arith.constant 3 : i32
      %add3A_169 = arith.addi %mul3A_167, %add3A_168 : i32
      %dma_wait3A_170 = arith.constant 0 : i32
      %dma_wait3A_171 = tpu.memref_slice %arg5[%add3A_169, %dma_wait3A_170] : memref<200x128xi32, #tpu.memory_space<vmem>> -> memref<1x128xi32, #tpu.memory_space<vmem>>
      %dma_wait3A_172 = tpu.memref_squeeze %dma_wait3A_171 : memref<1x128xi32, #tpu.memory_space<vmem>> -> memref<128xi32, #tpu.memory_space<vmem>>
      %dma_wait3A_173 = arith.constant 0 : i32
      %dma_wait3A_174 = arith.constant 0 : i32
      %dma_wait3A_175 = tpu.memref_slice %arg3[%dma_wait3A_173, %dma_wait3A_174] : memref<100000x128xf32, #tpu.memory_space<hbm>> -> memref<100000x128xf32, #tpu.memory_space<hbm>>
      tpu.wait_indirect_dma semaphore(%arg14 : memref<!tpu.dma_semaphore, #tpu.memory_space<semaphore_mem>>) src(%dma_wait3A_175 : memref<100000x128xf32, #tpu.memory_space<hbm>>) dst(%arg9 : memref<128x128xf32, #tpu.memory_space<vmem>>)
      %add3A_176 = arith.addi %mul3A_2, %add3A_169 : i32
      %mul3A_177 = arith.constant 128 : i32
      %mul3A_178 = arith.muli %add3A_176, %mul3A_177 : i32
      %dma_start3A_179 = arith.constant 0 : i32
      %dma_start3A_180 = tpu.memref_slice %arg4[%mul3A_178, %dma_start3A_179] : memref<819200x128xf32, #tpu.memory_space<hbm>> -> memref<128x128xf32, #tpu.memory_space<hbm>>
      %dma_start3A_181 = arith.constant 0 : i32
      %dma_start3A_182 = tpu.memref_slice %arg4[%mul3A_178, %dma_start3A_181] : memref<819200x128xf32, #tpu.memory_space<hbm>> -> memref<128x128xf32, #tpu.memory_space<hbm>>
      tpu.enqueue_dma source(%arg9 : memref<128x128xf32, #tpu.memory_space<vmem>>) target(%dma_start3A_182 : memref<128x128xf32, #tpu.memory_space<hbm>>) target_semaphore(%arg19 : memref<!tpu.dma_semaphore, #tpu.memory_space<semaphore_mem>>)
      %add3A_183 = arith.constant 4 : i32
      %add3A_184 = arith.addi %add3A_169, %add3A_183 : i32
      %lt3A_185 = arith.constant 200 : i32
      %lt3A_186 = arith.cmpi slt, %add3A_184, %lt3A_185 : i32
      %ge3A_187 = arith.constant 1 : i32
      %ge3A_188 = arith.cmpi sge, %add3A_169, %ge3A_187 : i32
      %and3A_189 = arith.andi %lt3A_186, %ge3A_188 : i1
      %convert_element_type3A_190 = arith.extui %and3A_189 : i1 to i32
      %cond3A_191 = arith.constant 0 : i32
      %cond3A_192 = arith.cmpi ne, %convert_element_type3A_190, %cond3A_191 : i32
      scf.if %cond3A_192 {
        %sub3A = arith.constant 1 : i32
        %sub3A_230 = arith.subi %add3A_169, %sub3A : i32
        %add3A_231 = arith.addi %mul3A_2, %sub3A_230 : i32
        %mul3A_232 = arith.constant 128 : i32
        %mul3A_233 = arith.muli %add3A_231, %mul3A_232 : i32
        %dma_wait3A_234 = arith.constant 0 : i32
        %dma_wait3A_235 = tpu.memref_slice %arg4[%mul3A_233, %dma_wait3A_234] : memref<819200x128xf32, #tpu.memory_space<hbm>> -> memref<128x128xf32, #tpu.memory_space<hbm>>
        %dma_wait3A_236 = arith.constant 0 : i32
        %dma_wait3A_237 = tpu.memref_slice %arg4[%mul3A_233, %dma_wait3A_236] : memref<819200x128xf32, #tpu.memory_space<hbm>> -> memref<128x128xf32, #tpu.memory_space<hbm>>
        tpu.wait_dma2 semaphore(%arg18 : memref<!tpu.dma_semaphore, #tpu.memory_space<semaphore_mem>>) src(%arg8 : memref<128x128xf32, #tpu.memory_space<vmem>>) dst(%dma_wait3A_237 : memref<128x128xf32, #tpu.memory_space<hbm>>)
      } else {
      }
      %lt3A_193 = arith.constant 200 : i32
      %lt3A_194 = arith.cmpi slt, %add3A_184, %lt3A_193 : i32
      %convert_element_type3A_195 = arith.extui %lt3A_194 : i1 to i32
      %cond3A_196 = arith.constant 0 : i32
      %cond3A_197 = arith.cmpi ne, %convert_element_type3A_195, %cond3A_196 : i32
      scf.if %cond3A_197 {
        %dma_start3A_230 = arith.constant 0 : i32
        %dma_start3A_231 = tpu.memref_slice %arg5[%add3A_184, %dma_start3A_230] : memref<200x128xi32, #tpu.memory_space<vmem>> -> memref<1x128xi32, #tpu.memory_space<vmem>>
        %dma_start3A_232 = tpu.memref_squeeze %dma_start3A_231 : memref<1x128xi32, #tpu.memory_space<vmem>> -> memref<128xi32, #tpu.memory_space<vmem>>
        %dma_start3A_233 = arith.constant 0 : i32
        %dma_start3A_234 = arith.constant 0 : i32
        %dma_start3A_235 = tpu.memref_slice %arg3[%dma_start3A_233, %dma_start3A_234] : memref<100000x128xf32, #tpu.memory_space<hbm>> -> memref<100000x128xf32, #tpu.memory_space<hbm>>
        tpu.enqueue_indirect_dma source(%dma_start3A_235 : memref<100000x128xf32, #tpu.memory_space<hbm>>) target(%arg8 : memref<128x128xf32, #tpu.memory_space<vmem>>) offsets(%dma_start3A_232 : memref<128xi32, #tpu.memory_space<vmem>>) semaphore(%arg13 : memref<!tpu.dma_semaphore, #tpu.memory_space<semaphore_mem>>)
      } else {
      }
      %mul3A_198 = arith.constant 5 : i32
      %mul3A_199 = arith.muli %mul3A_198, %scan3A_74 : i32
      %add3A_200 = arith.constant 4 : i32
      %add3A_201 = arith.addi %mul3A_199, %add3A_200 : i32
      %dma_wait3A_202 = arith.constant 0 : i32
      %dma_wait3A_203 = tpu.memref_slice %arg5[%add3A_201, %dma_wait3A_202] : memref<200x128xi32, #tpu.memory_space<vmem>> -> memref<1x128xi32, #tpu.memory_space<vmem>>
      %dma_wait3A_204 = tpu.memref_squeeze %dma_wait3A_203 : memref<1x128xi32, #tpu.memory_space<vmem>> -> memref<128xi32, #tpu.memory_space<vmem>>
      %dma_wait3A_205 = arith.constant 0 : i32
      %dma_wait3A_206 = arith.constant 0 : i32
      %dma_wait3A_207 = tpu.memref_slice %arg3[%dma_wait3A_205, %dma_wait3A_206] : memref<100000x128xf32, #tpu.memory_space<hbm>> -> memref<100000x128xf32, #tpu.memory_space<hbm>>
      tpu.wait_indirect_dma semaphore(%arg15 : memref<!tpu.dma_semaphore, #tpu.memory_space<semaphore_mem>>) src(%dma_wait3A_207 : memref<100000x128xf32, #tpu.memory_space<hbm>>) dst(%arg10 : memref<128x128xf32, #tpu.memory_space<vmem>>)
      %add3A_208 = arith.addi %mul3A_2, %add3A_201 : i32
      %mul3A_209 = arith.constant 128 : i32
      %mul3A_210 = arith.muli %add3A_208, %mul3A_209 : i32
      %dma_start3A_211 = arith.constant 0 : i32
      %dma_start3A_212 = tpu.memref_slice %arg4[%mul3A_210, %dma_start3A_211] : memref<819200x128xf32, #tpu.memory_space<hbm>> -> memref<128x128xf32, #tpu.memory_space<hbm>>
      %dma_start3A_213 = arith.constant 0 : i32
      %dma_start3A_214 = tpu.memref_slice %arg4[%mul3A_210, %dma_start3A_213] : memref<819200x128xf32, #tpu.memory_space<hbm>> -> memref<128x128xf32, #tpu.memory_space<hbm>>
      tpu.enqueue_dma source(%arg10 : memref<128x128xf32, #tpu.memory_space<vmem>>) target(%dma_start3A_214 : memref<128x128xf32, #tpu.memory_space<hbm>>) target_semaphore(%arg20 : memref<!tpu.dma_semaphore, #tpu.memory_space<semaphore_mem>>)
      %add3A_215 = arith.constant 4 : i32
      %add3A_216 = arith.addi %add3A_201, %add3A_215 : i32
      %lt3A_217 = arith.constant 200 : i32
      %lt3A_218 = arith.cmpi slt, %add3A_216, %lt3A_217 : i32
      %ge3A_219 = arith.constant 1 : i32
      %ge3A_220 = arith.cmpi sge, %add3A_201, %ge3A_219 : i32
      %and3A_221 = arith.andi %lt3A_218, %ge3A_220 : i1
      %convert_element_type3A_222 = arith.extui %and3A_221 : i1 to i32
      %cond3A_223 = arith.constant 0 : i32
      %cond3A_224 = arith.cmpi ne, %convert_element_type3A_222, %cond3A_223 : i32
      scf.if %cond3A_224 {
        %sub3A = arith.constant 1 : i32
        %sub3A_230 = arith.subi %add3A_201, %sub3A : i32
        %add3A_231 = arith.addi %mul3A_2, %sub3A_230 : i32
        %mul3A_232 = arith.constant 128 : i32
        %mul3A_233 = arith.muli %add3A_231, %mul3A_232 : i32
        %dma_wait3A_234 = arith.constant 0 : i32
        %dma_wait3A_235 = tpu.memref_slice %arg4[%mul3A_233, %dma_wait3A_234] : memref<819200x128xf32, #tpu.memory_space<hbm>> -> memref<128x128xf32, #tpu.memory_space<hbm>>
        %dma_wait3A_236 = arith.constant 0 : i32
        %dma_wait3A_237 = tpu.memref_slice %arg4[%mul3A_233, %dma_wait3A_236] : memref<819200x128xf32, #tpu.memory_space<hbm>> -> memref<128x128xf32, #tpu.memory_space<hbm>>
        tpu.wait_dma2 semaphore(%arg19 : memref<!tpu.dma_semaphore, #tpu.memory_space<semaphore_mem>>) src(%arg9 : memref<128x128xf32, #tpu.memory_space<vmem>>) dst(%dma_wait3A_237 : memref<128x128xf32, #tpu.memory_space<hbm>>)
      } else {
      }
      %lt3A_225 = arith.constant 200 : i32
      %lt3A_226 = arith.cmpi slt, %add3A_216, %lt3A_225 : i32
      %convert_element_type3A_227 = arith.extui %lt3A_226 : i1 to i32
      %cond3A_228 = arith.constant 0 : i32
      %cond3A_229 = arith.cmpi ne, %convert_element_type3A_227, %cond3A_228 : i32
      scf.if %cond3A_229 {
        %dma_start3A_230 = arith.constant 0 : i32
        %dma_start3A_231 = tpu.memref_slice %arg5[%add3A_216, %dma_start3A_230] : memref<200x128xi32, #tpu.memory_space<vmem>> -> memref<1x128xi32, #tpu.memory_space<vmem>>
        %dma_start3A_232 = tpu.memref_squeeze %dma_start3A_231 : memref<1x128xi32, #tpu.memory_space<vmem>> -> memref<128xi32, #tpu.memory_space<vmem>>
        %dma_start3A_233 = arith.constant 0 : i32
        %dma_start3A_234 = arith.constant 0 : i32
        %dma_start3A_235 = tpu.memref_slice %arg3[%dma_start3A_233, %dma_start3A_234] : memref<100000x128xf32, #tpu.memory_space<hbm>> -> memref<100000x128xf32, #tpu.memory_space<hbm>>
        tpu.enqueue_indirect_dma source(%dma_start3A_235 : memref<100000x128xf32, #tpu.memory_space<hbm>>) target(%arg9 : memref<128x128xf32, #tpu.memory_space<vmem>>) offsets(%dma_start3A_232 : memref<128xi32, #tpu.memory_space<vmem>>) semaphore(%arg14 : memref<!tpu.dma_semaphore, #tpu.memory_space<semaphore_mem>>)
      } else {
      }
    }
    %scan3A_34 = arith.constant 40 : i32
    %add3A_35 = arith.constant 195 : i32
    %add3A_36 = arith.addi %mul3A_2, %add3A_35 : i32
    %mul3A_37 = arith.constant 128 : i32
    %mul3A_38 = arith.muli %add3A_36, %mul3A_37 : i32
    %dma_wait3A = arith.constant 0 : i32
    %dma_wait3A_39 = tpu.memref_slice %arg4[%mul3A_38, %dma_wait3A] : memref<819200x128xf32, #tpu.memory_space<hbm>> -> memref<128x128xf32, #tpu.memory_space<hbm>>
    %dma_wait3A_40 = arith.constant 0 : i32
    %dma_wait3A_41 = tpu.memref_slice %arg4[%mul3A_38, %dma_wait3A_40] : memref<819200x128xf32, #tpu.memory_space<hbm>> -> memref<128x128xf32, #tpu.memory_space<hbm>>
    tpu.wait_dma2 semaphore(%arg16 : memref<!tpu.dma_semaphore, #tpu.memory_space<semaphore_mem>>) src(%arg6 : memref<128x128xf32, #tpu.memory_space<vmem>>) dst(%dma_wait3A_41 : memref<128x128xf32, #tpu.memory_space<hbm>>)
    %add3A_42 = arith.constant 196 : i32
    %add3A_43 = arith.addi %mul3A_2, %add3A_42 : i32
    %mul3A_44 = arith.constant 128 : i32
    %mul3A_45 = arith.muli %add3A_43, %mul3A_44 : i32
    %dma_wait3A_46 = arith.constant 0 : i32
    %dma_wait3A_47 = tpu.memref_slice %arg4[%mul3A_45, %dma_wait3A_46] : memref<819200x128xf32, #tpu.memory_space<hbm>> -> memref<128x128xf32, #tpu.memory_space<hbm>>
    %dma_wait3A_48 = arith.constant 0 : i32
    %dma_wait3A_49 = tpu.memref_slice %arg4[%mul3A_45, %dma_wait3A_48] : memref<819200x128xf32, #tpu.memory_space<hbm>> -> memref<128x128xf32, #tpu.memory_space<hbm>>
    tpu.wait_dma2 semaphore(%arg17 : memref<!tpu.dma_semaphore, #tpu.memory_space<semaphore_mem>>) src(%arg7 : memref<128x128xf32, #tpu.memory_space<vmem>>) dst(%dma_wait3A_49 : memref<128x128xf32, #tpu.memory_space<hbm>>)
    %add3A_50 = arith.constant 197 : i32
    %add3A_51 = arith.addi %mul3A_2, %add3A_50 : i32
    %mul3A_52 = arith.constant 128 : i32
    %mul3A_53 = arith.muli %add3A_51, %mul3A_52 : i32
    %dma_wait3A_54 = arith.constant 0 : i32
    %dma_wait3A_55 = tpu.memref_slice %arg4[%mul3A_53, %dma_wait3A_54] : memref<819200x128xf32, #tpu.memory_space<hbm>> -> memref<128x128xf32, #tpu.memory_space<hbm>>
    %dma_wait3A_56 = arith.constant 0 : i32
    %dma_wait3A_57 = tpu.memref_slice %arg4[%mul3A_53, %dma_wait3A_56] : memref<819200x128xf32, #tpu.memory_space<hbm>> -> memref<128x128xf32, #tpu.memory_space<hbm>>
    tpu.wait_dma2 semaphore(%arg18 : memref<!tpu.dma_semaphore, #tpu.memory_space<semaphore_mem>>) src(%arg8 : memref<128x128xf32, #tpu.memory_space<vmem>>) dst(%dma_wait3A_57 : memref<128x128xf32, #tpu.memory_space<hbm>>)
    %add3A_58 = arith.constant 198 : i32
    %add3A_59 = arith.addi %mul3A_2, %add3A_58 : i32
    %mul3A_60 = arith.constant 128 : i32
    %mul3A_61 = arith.muli %add3A_59, %mul3A_60 : i32
    %dma_wait3A_62 = arith.constant 0 : i32
    %dma_wait3A_63 = tpu.memref_slice %arg4[%mul3A_61, %dma_wait3A_62] : memref<819200x128xf32, #tpu.memory_space<hbm>> -> memref<128x128xf32, #tpu.memory_space<hbm>>
    %dma_wait3A_64 = arith.constant 0 : i32
    %dma_wait3A_65 = tpu.memref_slice %arg4[%mul3A_61, %dma_wait3A_64] : memref<819200x128xf32, #tpu.memory_space<hbm>> -> memref<128x128xf32, #tpu.memory_space<hbm>>
    tpu.wait_dma2 semaphore(%arg19 : memref<!tpu.dma_semaphore, #tpu.memory_space<semaphore_mem>>) src(%arg9 : memref<128x128xf32, #tpu.memory_space<vmem>>) dst(%dma_wait3A_65 : memref<128x128xf32, #tpu.memory_space<hbm>>)
    %add3A_66 = arith.constant 199 : i32
    %add3A_67 = arith.addi %mul3A_2, %add3A_66 : i32
    %mul3A_68 = arith.constant 128 : i32
    %mul3A_69 = arith.muli %add3A_67, %mul3A_68 : i32
    %dma_wait3A_70 = arith.constant 0 : i32
    %dma_wait3A_71 = tpu.memref_slice %arg4[%mul3A_69, %dma_wait3A_70] : memref<819200x128xf32, #tpu.memory_space<hbm>> -> memref<128x128xf32, #tpu.memory_space<hbm>>
    %dma_wait3A_72 = arith.constant 0 : i32
    %dma_wait3A_73 = tpu.memref_slice %arg4[%mul3A_69, %dma_wait3A_72] : memref<819200x128xf32, #tpu.memory_space<hbm>> -> memref<128x128xf32, #tpu.memory_space<hbm>>
    tpu.wait_dma2 semaphore(%arg20 : memref<!tpu.dma_semaphore, #tpu.memory_space<semaphore_mem>>) src(%arg10 : memref<128x128xf32, #tpu.memory_space<vmem>>) dst(%dma_wait3A_73 : memref<128x128xf32, #tpu.memory_space<hbm>>)
    return
  }
}

</mosaic_0001>

<sc_bundles>
// kernel: kernel.3.cloned.1.call-start
scs
__scs_entry_jumppad:
0x0: {  	(pc) =	sbr.rel $0x88, $3  }
0x1: {  	(tag) =	ssettag $0x0;
	lr =	simm.s32 $0x1  }
0x2: {  	[smem:$0x3F9F] =	sst lr;
	_ =	strace $0xD0000000  }
0x3: {  	_ = 	snop  }
0x4: {  	_ = 	snop  }
0x5: {  	_ = 	snop  }
0x6: {  	_ = 	snop  }
0x7: {  	_ = 	snop  }
__scs_overlays_trampoline_lowered:
0x8: {  	[smem:$0x3FAE] =	sst s0  }
0x9: {  	[smem:$0x3FAF] =	sst s1  }
0xa: {  	[smem:$0x3FB0] =	sst s2  }
0xb: {  	[smem:$0x3FB1] =	sst s3  }
0xc: {  	[smem:$0x3FB2] =	sst s4  }
0xd: {  	[smem:$0x3FB3] =	sst s5  }
0xe: {  	[smem:$0x3FB4] =	sst s6  }
0xf: {  	[smem:$0x3FB5] =	sst s7  }
0x10: {  	[smem:$0x3FB6] =	sst s8  }
0x11: {  	[smem:$0x3FB7] =	sst s9;
	s0 =	simm.s32 @!p0 $0x0  }
0x12: {  	s1 =	sld [smem:$0x3F9D];
	s0 =	simm.s32 @p0 $0x1  }
0x13: {  	[smem:$0x3FB8] =	sst s0;
	s0 =	simm.s32 @!p1 $0x0  }
0x14: {  	s2 =	sld [smem:$0x3F9C];
	s0 =	simm.s32 @p1 $0x1  }
0x15: {  	[smem:$0x3FB9] =	sst s0;
	s0 =	simm.s32 @!p2 $0x0  }
0x16: {  	s3 =	sld [smem:$0x3FDB];
	s0 =	simm.s32 @p2 $0x1  }
0x17: {  	s4 =	simm.s32 $0x1BF5;
	[smem:$0x3FBB] =	sst s0  }
0x18: {  	s0 =	sld [smem:$0x3F9E];
	_ =	swait.ge [sflag:s4], $0x0  }
0x19: {  	s7 =	sld [smem:$0x3F9F]  }
0x1a: {  	s8 =	sadd.s32 $0xFFFFE003, lr  }
0x1b: {  	s9 =	sadd.s32 $0xFFFFFEF7, lr;
	s5 =	simm.s32 $0xFFFFFFFF;
	p2 =	slt.u32 s8, $0xFFFFF086  }
0x1c: {  	p1 =	slt.u32 s9, $0xF7A;
	s5 =	simm.s32 @!p2 $0x0  }
0x1d: {  	s5 =	simm.s32 @p1 $0x1;
	p0 =	seq.s32 s7, s2  }
0x1e: {  	s7 =	smul.u32 @!p0 $0xF7A, s2;
	p2 =	seq.s32 @!p0 s5, $0x0  }
0x1f: {  	s9 =	smul.u32 $0xF7A, s1;
	s8 =	simm.s32 @!p0 $0x1BF5;
	p2 =	por !p2, p0  }
0x20: {  	[sflag:s8] =	ssyncset.s32 @!p0 $0xFFFFF086;
	s6 =	sadd.s32 @!p0 s3, s7;
	s7 =	simm.s32 @!p0 $0x108  }
0x21: {  	s3 =	sadd.s32 s3, s9;
	s6 =	sadd.s32 @!p0 $0x88, s6;
	s7 =	simm.s32 @p2 $0x1082  }
0x22: {  	[simem:s7], [sflag:s8] =	dma.local @!p0 [hbm:s6], $0xF7A  }
0x23: {  	s9 =	sor.u32 $0xD0000000, s2;
	s6 =	simm.s32 $0x108;
	_ =	swait.ge @!p0 [sflag:s8], $0x0  }
0x24: {  	s3 =	sadd.s32 $0x88, s3;
	s6 =	simm.s32 @!p1 $0x1082;
	[sflag:s4] =	ssyncset.s32 $0xFFFFF086  }
0x25: {  	[simem:s6], [sflag:s4] =	dma.local [hbm:s3], $0xF7A  }
0x26: {  	[smem:$0x3F9F] =	sst s1;
	(tag) =	ssettag s2;
	_ =	strace s9  }
0x27: {  	s1 =	sld [smem:$0x3FAF]  }
0x28: {  	s2 =	sld [smem:$0x3FB0]  }
0x29: {  	s4 =	sld [smem:$0x3FB2]  }
0x2a: {  	p0 =	seq.s32 s5, $0x0;
	s5 =	sld [smem:$0x3FB3]  }
0x2b: {  	s6 =	sld [smem:$0x3FB4]  }
0x2c: {  	s7 =	sld [smem:$0x3FB5]  }
0x2d: {  	s3 =	simm.s32 $0x108;
	s8 =	sld [smem:$0x3FB6]  }
0x2e: {  	s3 =	simm.s32 @!p0 $0x1082;
	s9 =	sld [smem:$0x3FB7]  }
0x2f: {  	lr =	sadd.s32 s0, s3;
	s0 =	sld [smem:$0x3FAE]  }
0x30: {  	s3 =	sld [smem:$0x3FB1]  }
0x31: {  	[smem:$0x3FBA] =	sst s10  }
0x32: {  	s10 =	sld [smem:$0x3FB8];
	_ =	sdelay $0x3  }
0x33: {  	p0 =	seq.s32 s10, $0x1;
	s10 =	sld [smem:$0x3FBA];
	_ =	sdelay $0x3  }
0x34: {  	[smem:$0x3FBA] =	sst s10  }
0x35: {  	s10 =	sld [smem:$0x3FB9];
	_ =	sdelay $0x3  }
0x36: {  	p1 =	seq.s32 s10, $0x1;
	s10 =	sld [smem:$0x3FBA];
	_ =	sdelay $0x3  }
0x37: {  	[smem:$0x3FBA] =	sst s10  }
0x38: {  	s10 =	sld [smem:$0x3FBB]  }
0x39: {  	_ = 	snop;
	(pc) =	sbr.ind lr, $3  }
0x3a: {  	_ = 	snop  }
0x3b: {  	_ = 	snop  }
0x3c: {  	p2 =	seq.s32 s10, $0x1;
	s10 =	sld [smem:$0x3FBA]  }
0x3d: {  	_ =	shalt  }
0x3e: {  	_ =	shalt  }
0x3f: {  	_ =	shalt  }
0x40: {  	_ =	shalt  }
0x41: {  	_ =	shalt  }
0x42: {  	_ =	shalt  }
0x43: {  	_ =	shalt  }
0x44: {  	_ =	shalt  }
0x45: {  	_ =	shalt  }
0x46: {  	_ =	shalt  }
0x47: {  	_ =	shalt  }
0x48: {  	_ =	shalt  }
0x49: {  	_ =	shalt  }
0x4a: {  	_ =	shalt  }
0x4b: {  	_ =	shalt  }
0x4c: {  	_ =	shalt  }
0x4d: {  	_ =	shalt  }
0x4e: {  	_ =	shalt  }
0x4f: {  	_ =	shalt  }
0x50: {  	_ =	shalt  }
0x51: {  	_ =	shalt  }
0x52: {  	_ =	shalt  }
0x53: {  	_ =	shalt  }
0x54: {  	_ =	shalt  }
0x55: {  	_ =	shalt  }
0x56: {  	_ =	shalt  }
0x57: {  	_ =	shalt  }
0x58: {  	_ =	shalt  }
0x59: {  	_ =	shalt  }
0x5a: {  	_ =	shalt  }
0x5b: {  	_ =	shalt  }
0x5c: {  	_ =	shalt  }
0x5d: {  	_ =	shalt  }
0x5e: {  	_ =	shalt  }
0x5f: {  	_ =	shalt  }
0x60: {  	_ =	shalt  }
0x61: {  	_ =	shalt  }
0x62: {  	_ =	shalt  }
0x63: {  	_ =	shalt  }
0x64: {  	_ =	shalt  }
0x65: {  	_ =	shalt  }
0x66: {  	_ =	shalt  }
0x67: {  	_ =	shalt  }
0x68: {  	_ =	shalt  }
0x69: {  	_ =	shalt  }
0x6a: {  	_ =	shalt  }
0x6b: {  	_ =	shalt  }
0x6c: {  	_ =	shalt  }
0x6d: {  	_ =	shalt  }
0x6e: {  	_ =	shalt  }
0x6f: {  	_ =	shalt  }
0x70: {  	_ =	shalt  }
0x71: {  	_ =	shalt  }
0x72: {  	_ =	shalt  }
0x73: {  	_ =	shalt  }
0x74: {  	_ =	shalt  }
0x75: {  	_ =	shalt  }
0x76: {  	_ =	shalt  }
0x77: {  	_ =	shalt  }
0x78: {  	_ =	shalt  }
0x79: {  	_ =	shalt  }
0x7a: {  	_ =	shalt  }
0x7b: {  	_ =	shalt  }
0x7c: {  	_ =	shalt  }
0x7d: {  	_ =	shalt  }
0x7e: {  	_ =	shalt  }
0x7f: {  	_ =	shalt  }
0x80: {  	_ =	shalt  }
0x81: {  	_ =	shalt  }
0x82: {  	_ =	shalt  }
0x83: {  	_ =	shalt  }
0x84: {  	_ =	shalt  }
0x85: {  	_ =	shalt  }
0x86: {  	_ =	shalt  }
0x87: {  	_ =	shalt  }
.Lfunc_end0:
.L_simem_size_0:
called_computation_lowered:
.L_overlay_start_0:
0x88: {  	s2 =	sld [smem:$0x3FD9]  }
0x89: {  	s3 =	sld [smem:$0x3FFE];
	_ =	sdelay $0x1  }
0x8a: {  	s1 =	srdreg.scid  }
0x8b: {  	s0 =	sand.u32 $0x1, s1  }
0x8c: {  	s17 =	sshll.u32 s0, $0xA;
	s2 =	sadd.s32 s3, s2  }
0x8d: {  	s2 =	sadd.s32 s2, s17  }
0x8e: {  	[smem:$0x3FC6] =	sst s2  }
0x8f: {  	_ = 	snop  }
0x90: {  	s2 =	sld [smem:$0x3FC8]  }
0x91: {  	s18 =	sld [smem:$0x3FD0];
	(tm) =	ssettm $0x1  }
0x92: {  	s4 =	sld [smem:$0x3FFB];
	_ =	sdelay $0x3  }
0x93: {  	_ =	strace s4  }
0x94: {  	s4 =	sld [smem:$0x3FFC];
	_ =	sdelay $0x3  }
0x95: {  	_ =	strace s4  }
0x96: {  	s4 =	sld [smem:$0x3FFD];
	_ =	sdelay $0x3  }
0x97: {  	_ =	strace s4  }
0x98: {  	_ =	strace $0x8FFFFFFF  }
0x99: {  	s19 =	sld [smem:$0x3FDB];
	_ =	sdelay $0x1  }
0x9a: {  	s5 =	simm.s32 $_scs_section_size  }
0x9b: {  	s6 =	simm.s32 $_size__tile_overlayer_lowered;
	s7 =	simm.s32 $_tile_overlayer_lowered  }
0x9c: {  	s22 =	simm.s32 $0x1BFF;
	s21 =	sshll.u32 s7, $0x1;
	s4 =	sadd.s32 s5, s19  }
0x9d: {  	s8 =	simm.s32 $0x0;
	s20 =	sshll.u32 s6, $0x1;
	s6 =	sadd.s32 s21, s4  }
0x9e: {  	[timem:s8], [sflag:s22] =	dma.local [hbm:s6], s20  }
0x9f: {  	_ =	swait.ge [sflag:s22], s20  }
0xa0: {  	s5 =	ssub.s32 $0x0, s20;
	[sflag:s22] =	ssyncset.done $0x0  }
0xa1: {  	[sflag:s22] =	ssyncadd.s32 s5;
	_ =	sdelay $0x1  }
0xa2: {  	s23 =	simm.s32 $0x1B8B  }
0xa3: {  	_ =	swait.ge [sflag:s23], $0x1  }
0xa4: {  	[sflag:s23] =	ssyncset.done $0x0  }
0xa5: {  	s25 =	simm.s32 $0x1B8E;
	s24 =	sld [smem:$0x3FFE];
	[sflag:s23] =	ssyncadd.s32 $0xFFFFFFFF  }
0xa6: {  	s26 =	simm.s32 $execute0_lowered;
	[smem:$0x3FD2] =	sst s25  }
0xa7: {  	s6 =	sshll.u32 s26, $0x1;
	_ =	strace $0x80000046;
	[dreg:$0x1] =	wrdreg $0xFFFFFFFF  }
0xa8: {  	s28 =	simm.s32 $_size_execute0_lowered;
	s4 =	sadd.s32 s4, s6;
	[dreg:$0x0] =	wrdreg $0x0  }
0xa9: {  	s6 =	sshll.u32 s28, $0x1;
	[dreg:$0x2] =	wrdreg s4  }
0xaa: {  	[dreg:$0x3] =	wrdreg s6  }
0xab: {  	[dreg:$0x4] =	wrdreg $0xC0  }
0xac: {  	_ =	task [dreg:s8], $0x5FFFF  }
0xad: {  	[dreg:$0x1] =	wrdreg $0xFFFFFFFF  }
0xae: {  	[dreg:$0x0] =	wrdreg $0x60  }
0xaf: {  	[dreg:$0x2] =	wrdreg s24  }
0xb0: {  	[dreg:$0x3] =	wrdreg s2  }
0xb1: {  	[dreg:$0x4] =	wrdreg s18  }
0xb2: {  	[dreg:$0x5] =	wrdreg $0x9  }
0xb3: {  	_ =	task.clear_ibuf [dreg:s8], $0x6FFFF;
	_ =	strace $0x90000046  }
0xb4: {  	s29 =	simm.s32 $0x9;
	_ =	strace $0x80000048  }
0xb5: {  	_ =	swait.ge [sflag:s29], $0x1  }
0xb6: {  	[sflag:s29] =	ssyncadd.s32 $0xFFFFFFFF  }
0xb7: {  	_ =	strace $0x90000048  }
0xb8: {  	_ =	sfence  }
0xb9: {  	s30 =	sld [smem:$0x0];
	_ =	sdelay $0x2  }
0xba: {  	s31 =	sshll.u32 s1, $0xD;
	s1 =	sshrl.u32 s1, $0x2  }
0xbb: {  	s3 =	sand.u32 $0x4000, s31;
	s1 =	sadd.s32 s1, s30  }
0xbc: {  	s0 =	sor.u32 s3, s0;
	s1 =	sshll.u32 s1, $0x11  }
0xbd: {  	s0 =	sor.u32 s1, s0  }
0xbe: {  	s0 =	sadd.s32 $0x8F2B, s0  }
0xbf: {  	[sflag:s0] =	ssyncadd.remote.s32 $0x1  }
0xc0: {  	_ =	sfence.sel $0xFFFF  }
0xc1: {  	[dreg:$0x0] =	wrdreg $0xFFFFFFFF;
	(pc) =	sbr.abs _section_cstart, $3  }
0xc2: {  	[dreg:$0x1] =	wrdreg $0xFFFFFFFF  }
0xc3: {  	_ =	task.clear_ibuf [dreg:s8], $0x2FFFF;
	_ =	strace $0x9FFFFFFF  }
0xc4: {  	(tm) =	ssettm $0x7FFFFFFF  }
0xc5: {  	_ =	shalt  }
tec
execute0_lowered:
.L_overlay_start_1:
0x0: {  	(tag) =	ssettag $0x1  }
0x1: {  	s1 =	rddreg [dreg:$0x0];
	s3 =	srdreg.scid  }
0x2: {  	s0 =	stileid.u32;
	s2 =	rddreg [dreg:$0x1];
	s11 =	simm.s32 $0x6400  }
0x3: {  	s12 =	simm.s32 $0xA400;
	s14 =	simm.s32 $0xE400;
	s16 =	simm.s32 $0x12400  }
0x4: {  	s17 =	simm.s32 $0x1;
	s18 =	simm.s32 $0x16400;
	s19 =	simm.s32 $0x2  }
0x5: {  	s20 =	simm.s32 $0x3;
	s21 =	simm.s32 $0x4;
	s22 =	simm.s32 $0x5  }
0x6: {  	s23 =	simm.s32 $0x6;
	s24 =	simm.s32 $0x7;
	s7 =	smul.u32 $0x190, s0  }
0x7: {  	s25 =	simm.s32 $0x8;
	s5 =	sand.u32 $0x1, s3;
	s10 =	smul.u32 $0xC8000, s0  }
0x8: {  	s28 =	simm.s32 $0xA;
	s4 =	sshll.u32 s0, $0x1;
	s9 =	smul.u32 $0xC8, s5  }
0x9: {  	s29 =	simm.s32 $0x0;
	s6 =	sor.u32 s5, s4;
	s30 =	smul.u32 $0x64000, s5  }
0xa: {  	s4 =	simm.s32 $0x0;
	s8 =	ssub.s32 $0x2, s5;
	s6 =	smul.u32 $0xC80, s6  }
.Ltmp0:
0xb: {  	[smem:$0x7FF] =	sst s4;
	s26 =	sshrl.u32 s8, $0x1;
	(pc) =	sbr.rel .LBB2_1-.Ltmp0, $4  }
0xc: {  	_ =	strace $0x80000047;
	s7 =	sadd.s32 s9, s7;
	s9 =	simm.s32 $0xB  }
0xd: {  	s1 =	sadd.s32 s6, s1;
	s6 =	ssub.s32 s8, s26;
	s7 =	sshll.u32 s7, $0xB  }
0xe: {  	s8 =	sadd.s32 s30, s10;
	s10 =	simm.s32 $0x80;
	s31 =	sadd.s32 $0x400, s1  }
0xf: {  	s26 =	simm.s32 $0x9;
	s6 =	smax.u32 s6, $0x1;
	[dreg:$0x4] =	wrdreg s31  }
.LBB2_4:
0x10: {  	_ =	swait.ge [sflag:s23], $0x4000  }
0x11: {  	[sflag:s23] =	ssyncset.done $0x0  }
0x12: {  	[sflag:s23] =	ssyncadd.s32 $0xFFFFC000  }
0x13: {  	_ =	swait.ge [sflag:s24], $0x4000  }
0x14: {  	[sflag:s24] =	ssyncset.done $0x0  }
0x15: {  	[sflag:s24] =	ssyncadd.s32 $0xFFFFC000  }
0x16: {  	_ =	swait.ge [sflag:s25], $0x4000  }
0x17: {  	[sflag:s25] =	ssyncset.done $0x0  }
0x18: {  	s29 =	sadd.s32 $0x1, s29;
	[sflag:s25] =	ssyncadd.s32 $0xFFFFC000  }
0x19: {  	p0 =	sne.s32 s29, s6;
	_ =	swait.ge [sflag:s26], $0x4000  }
.Ltmp1:
0x1a: {  	[sflag:s26] =	ssyncset.done $0x0;
	(pc) =	sbr.rel @!p0 .LBB2_5-.Ltmp1, $4  }
0x1b: {  	[sflag:s26] =	ssyncadd.s32 $0xFFFFC000  }
0x1c: {  	_ =	swait.ge [sflag:s28], $0x4000  }
0x1d: {  	[sflag:s28] =	ssyncset.done $0x0  }
0x1e: {  	[sflag:s28] =	ssyncadd.s32 $0xFFFFC000  }
.LBB2_1:
0x1f: {  	s0 =	rddreg [dreg:$0x4]  }
0x20: {  	[tilespmem:s4], [sflag:$0xB] =	stream.linear.gather [hbm4b:s0+s4], $0x6400, $0x38;
	[tilespmem:$0x1A400] =	vst v63  }
0x21: {  	_ =	swait.ge [sflag:s9], $0x6400  }
0x22: {  	[sflag:s9] =	ssyncset.done $0x0  }
0x23: {  	[sflag:s9] =	ssyncadd.s32 $0xFFFF9C00  }
0x24: {  	[tilespmem:s11], [sflag:$0x1] =	stream.indirect.gather [hbm4b:s2+s10], $0x80, s4, s10, $0xb8;
	[tilespmem:$0x1A400] =	vst v63  }
0x25: {  	_ = 	snop  }
0x26: {  	[tilespmem:s12], [sflag:$0x2] =	stream.indirect.gather [hbm4b:s2+s10], $0x80, s10, s10, $0xb8;
	[tilespmem:$0x1A400] =	vst v63  }
0x27: {  	s13 =	simm.s32 $0x100  }
0x28: {  	[tilespmem:s14], [sflag:$0x3] =	stream.indirect.gather [hbm4b:s2+s10], $0x80, s13, s10, $0xb8;
	[tilespmem:$0x1A400] =	vst v63  }
0x29: {  	s15 =	simm.s32 $0x180;
	s31 =	simm.s32 $0x0;
	s30 =	rddreg [dreg:$0x2]  }
0x2a: {  	[tilespmem:s16], [sflag:$0x4] =	stream.indirect.gather [hbm4b:s2+s10], $0x80, s15, s10, $0xb8;
	[tilespmem:$0x1A400] =	vst v63  }
.LBB2_2:
0x2b: {  	_ =	swait.ge [sflag:s17], $0x4000  }
0x2c: {  	p0 =	seq.s32 s31, $0x0;
	[sflag:s17] =	ssyncset.done $0x0  }
0x2d: {  	s1 =	sadd.s32 s30, s8;
	s0 =	simm.s32 @!p0 $0xA;
	[sflag:s17] =	ssyncadd.s32 $0xFFFFC000  }
0x2e: {  	[hbm4b:s1+s4] =	stream.linear.scatter [tilespmem:s11], [sflag:$0x6], $0x4000, $0x38;
	[tilespmem:$0x1A400] =	vst v63  }
0x2f: {  	_ =	swait.ge @!p0 [sflag:s0], $0x4000  }
0x30: {  	s1 =	sshra.s32 s31, $0x2;
	[sflag:s0] =	ssyncset.done @!p0 $0x0  }
0x31: {  	s5 =	sadd.s32 $0x200, s1;
	[sflag:s0] =	ssyncadd.s32 @!p0 $0xFFFFC000  }
0x32: {  	[tilespmem:s18], [sflag:$0x5] =	stream.indirect.gather [hbm4b:s2+s10], $0x80, s5, s10, $0xb8;
	[tilespmem:$0x1A400] =	vst v63  }
0x33: {  	_ =	swait.ge [sflag:s19], $0x4000  }
0x34: {  	s0 =	sadd.s32 s30, s7;
	[sflag:s19] =	ssyncset.done $0x0  }
0x35: {  	p0 =	seq.s32 s31, $0x18600;
	s3 =	sadd.s32 $0x800, s0;
	[sflag:s19] =	ssyncadd.s32 $0xFFFFC000  }
0x36: {  	[hbm4b:s3+s4] =	stream.linear.scatter [tilespmem:s12], [sflag:$0x7], $0x4000, $0x38;
	[tilespmem:$0x1A400] =	vst v63  }
0x37: {  	s3 =	simm.s32 @!p0 $0x6  }
0x38: {  	_ =	swait.ge @!p0 [sflag:s3], $0x4000  }
0x39: {  	[sflag:s3] =	ssyncset.done @!p0 $0x0  }
0x3a: {  	[sflag:s3] =	ssyncadd.s32 @!p0 $0xFFFFC000;
	s3 =	sshra.s32 @!p0 s31, $0x2  }
0x3b: {  	s15 =	simm.s32 @!p0 $0x80;
	s5 =	simm.s32 @!p0 $0x6400;
	s13 =	sadd.s32 @!p0 $0x280, s3  }
0x3c: {  	[tilespmem:s5], [sflag:$0x1] =	stream.indirect.gather @!p0 [hbm4b:s2+s15], $0x80, s13, s15, $0xb8;
	[tilespmem:$0x1A400] =	vst v63  }
0x3d: {  	_ =	swait.ge [sflag:s20], $0x4000  }
0x3e: {  	[sflag:s20] =	ssyncset.done $0x0  }
0x3f: {  	s13 =	sadd.s32 $0x1000, s0;
	s5 =	simm.s32 @!p0 $0x7;
	[sflag:s20] =	ssyncadd.s32 $0xFFFFC000  }
0x40: {  	[hbm4b:s13+s4] =	stream.linear.scatter [tilespmem:s14], [sflag:$0x8], $0x4000, $0x38;
	[tilespmem:$0x1A400] =	vst v63  }
0x41: {  	_ =	swait.ge @!p0 [sflag:s5], $0x4000  }
0x42: {  	[sflag:s5] =	ssyncset.done @!p0 $0x0  }
0x43: {  	s13 =	simm.s32 @!p0 $0xA400;
	[sflag:s5] =	ssyncadd.s32 @!p0 $0xFFFFC000;
	s5 =	sadd.s32 @!p0 $0x300, s3  }
0x44: {  	[tilespmem:s13], [sflag:$0x2] =	stream.indirect.gather @!p0 [hbm4b:s2+s15], $0x80, s5, s15, $0xb8;
	[tilespmem:$0x1A400] =	vst v63  }
0x45: {  	_ =	swait.ge [sflag:s21], $0x4000  }
0x46: {  	[sflag:s21] =	ssyncset.done $0x0  }
0x47: {  	s13 =	sadd.s32 $0x1800, s0;
	s5 =	simm.s32 @!p0 $0x8;
	[sflag:s21] =	ssyncadd.s32 $0xFFFFC000  }
0x48: {  	[hbm4b:s13+s4] =	stream.linear.scatter [tilespmem:s16], [sflag:$0x9], $0x4000, $0x38;
	[tilespmem:$0x1A400] =	vst v63  }
0x49: {  	_ =	swait.ge @!p0 [sflag:s5], $0x4000  }
0x4a: {  	[sflag:s5] =	ssyncset.done @!p0 $0x0  }
0x4b: {  	s3 =	sadd.s32 @!p0 $0x380, s3;
	[sflag:s5] =	ssyncadd.s32 @!p0 $0xFFFFC000;
	s5 =	simm.s32 @!p0 $0xE400  }
0x4c: {  	[tilespmem:s5], [sflag:$0x3] =	stream.indirect.gather @!p0 [hbm4b:s2+s15], $0x80, s3, s15, $0xb8;
	[tilespmem:$0x1A400] =	vst v63  }
.Ltmp2:
0x4d: {  	_ = 	snop;
	(pc) =	sbr.rel @p0 .LBB2_4-.Ltmp2, $4  }
0x4e: {  	_ =	swait.ge [sflag:s22], $0x4000  }
0x4f: {  	[sflag:s22] =	ssyncset.done $0x0  }
0x50: {  	s0 =	sadd.s32 $0x2000, s0;
	[sflag:s22] =	ssyncadd.s32 $0xFFFFC000  }
0x51: {  	[hbm4b:s0+s4] =	stream.linear.scatter [tilespmem:s18], [sflag:$0xA], $0x4000, $0x38;
	[tilespmem:$0x1A400] =	vst v63  }
.Ltmp3:
0x52: {  	(pc) =	sbr.rel .LBB2_2-.Ltmp3, $4  }
0x53: {  	_ =	swait.ge [sflag:s26], $0x4000  }
0x54: {  	s0 =	sadd.s32 $0x400, s1;
	[sflag:s26] =	ssyncset.done $0x0  }
0x55: {  	s31 =	sadd.s32 $0xA00, s31;
	s30 =	sadd.s32 $0x2800, s30;
	[sflag:s26] =	ssyncadd.s32 $0xFFFFC000  }
0x56: {  	[tilespmem:s16], [sflag:$0x4] =	stream.indirect.gather [hbm4b:s2+s10], $0x80, s0, s10, $0xb8;
	[tilespmem:$0x1A400] =	vst v63  }
.LBB2_5:
0x57: {  	_ =	sfence.sel $0x180000  }
0x58: {  	[bflag:$0x0] =	sbarrier.arrive $0xFFFF  }
0x59: {  	_ =	strace $0x90000047  }
0x5a: {  	s0 =	stileid.u32;
	[bflag:$0x2] =	sbarrier.arrive $0xFFFF  }
0x5b: {  	p0 =	sne.s32 s0, $0x0;
	s0 =	rddreg [dreg:$0x3]  }
0x5c: {  	s0 =	sadd.s32 @!p0 $0x100000, s0  }
0x5d: {  	[sflag:s0] =	ssyncadd.tile.s32 @!p0 $0x1;
	_ =	shalt  }
.Lfunc_end2:
_tile_overlayer_lowered:
.L_overlay_start_2:
0x5e: {  	(tag) =	ssettag $0x2  }
0x5f: {  	s0 =	rddreg [dreg:$0x0];
	s2 =	stileid.u32  }
0x60: {  	s1 =	rddreg [dreg:$0x1];
	p0 =	sne.s32 s2, $0x0  }
0x61: {  	s3 =	rddreg [dreg:$0x2];
	[bflag:$0x3] =	sbarrier.arrive $0xFFFF;
	s2 =	simm.s32 @!p0 $0x1C0B  }
0x62: {  	[timem:s3], [sflag:s2] =	dma.local @!p0 [hbm:s0], s1  }
0x63: {  	s0 =	simm.s32 @!p0 $0xB  }
0x64: {  	_ =	swait.ge @!p0 [sflag:s0], s1  }
0x65: {  	s1 =	ssub.s32 @!p0 $0x0, s1;
	[sflag:s0] =	ssyncset.done @!p0 $0x0  }
0x66: {  	[sflag:s0] =	ssyncadd.s32 @!p0 s1  }
0x67: {  	[bflag:$0x3] =	sbarrier.arrive $0xFFFF  }
0x68: {  	_ =	shalt  }

</sc_bundles>
